<compile_context>
chip_gen: v7x
topology: tpu7x:2x2x1
jax: 0.10.2.dev20260603
libtpu: 0.0.44.dev20260713+nightly
codegen_flags: <defaults>
</compile_context>

<pallas_src>
import functools

import jax
import jax.numpy as jnp
from jax import lax
from jax.experimental import pallas as pl
from jax.experimental.pallas import tpu as pltpu
from jax.experimental.pallas import tpu_sc as plsc

_DIM = 64
_MAX_LENGTH = 160
_TBL = 2 * _MAX_LENGTH
_NW = 32


def _sc_mesh():
    return plsc.VectorSubcoreMesh(core_axis_name="c", subcore_axis_name="s")


_SC_PARAMS = pltpu.CompilerParams(use_tc_tiling_on_sc=False)


def _build_strip_sc(tbl_flat, seq):
    crows = 2 * seq
    chunk = crows // _NW

    @functools.partial(
        pl.kernel,
        mesh=_sc_mesh(),
        out_type=jax.ShapeDtypeStruct((crows, _DIM), jnp.float32),
        scratch_types=[
            pltpu.VMEM((_TBL * _DIM,), jnp.float32),
            pltpu.VMEM((chunk, _DIM), jnp.float32),
        ],
        compiler_params=_SC_PARAMS,
    )
    def build(tbl_hbm, c_hbm, tbl_v, chunk_v):
        wid = lax.axis_index("s") * 2 + lax.axis_index("c")
        pltpu.sync_copy(tbl_hbm, tbl_v)
        base = wid * chunk

        def body(r, carry):
            src = jnp.clip(seq + _MAX_LENGTH - 1 - (base + r), 0, _TBL - 1)
            soff = pl.multiple_of(src * _DIM, _DIM)
            for c in range(_DIM // 16):
                chunk_v[r, pl.ds(c * 16, 16)] = tbl_v[
                    pl.ds(soff + c * 16, 16)]
            return carry

        lax.fori_loop(0, chunk, body, 0)
        pltpu.sync_copy(chunk_v, c_hbm.at[pl.ds(base, chunk)])

    return build(tbl_flat)


def _stream_sc(c_strip, seq):
    rows_pw = seq // _NW
    jt = 1024
    span = jt + rows_pw
    nq = seq // jt

    @functools.partial(
        pl.kernel,
        mesh=_sc_mesh(),
        out_type=jax.ShapeDtypeStruct((seq, seq, _DIM), jnp.float32),
        scratch_types=[
            pltpu.VMEM((span, _DIM), jnp.float32),
            pltpu.SemaphoreType.DMA,
        ],
        compiler_params=_SC_PARAMS,
    )
    def stream(c_hbm, out_hbm, buf_v, sem):
        wid = lax.axis_index("s") * 2 + lax.axis_index("c")
        base = wid * rows_pw
        for q in range(nq):
            start = (seq - rows_pw) - base + q * jt
            pltpu.sync_copy(c_hbm.at[pl.ds(start, span)], buf_v)

            def fire(r, carry):
                pltpu.make_async_copy(
                    buf_v.at[pl.ds(rows_pw - 1 - r, jt)],
                    out_hbm.at[base + r, pl.ds(q * jt, jt)],
                    sem,
                ).start()
                return carry

            lax.fori_loop(0, rows_pw, fire, 0)

            def drain(r, carry):
                pltpu.make_async_copy(
                    buf_v.at[pl.ds(rows_pw - 1 - r, jt)],
                    out_hbm.at[base + r, pl.ds(q * jt, jt)],
                    sem,
                ).wait()
                return carry

            lax.fori_loop(0, rows_pw, drain, 0)

    return stream(c_strip)


def kernel(hidden_states, pe_k_weight):
    seq = hidden_states.shape[1]
    tbl_flat = pe_k_weight.reshape(_TBL * _DIM)
    c_strip = _build_strip_sc(tbl_flat, seq)
    return _stream_sc(c_strip, seq)

# --- scband reference (transcript-rebuilt; emitter-appended) ---
"""Pipeline reference for scband-speech-t5-relative-positional-encoding-fixed-21766894256805 (READ-ONLY COPY).

The authoritative reference and input builder live on the scoring server;
editing this copy changes nothing except your own understanding.
"""

import jax, jax.numpy as jnp
import numpy as np

DIM = 64
MAX_LENGTH = 160

def setup_inputs(seed: int = 0) -> dict:
    key = jax.random.key(seed)
    k1, k2 = jax.random.split(key)
    hidden_states = jax.random.normal(k1, (2, 2048, 768), dtype=jnp.float32)
    # learned embedding table pe_k: nn.Embedding(2*max_length, dim)
    pe_k_weight = jax.random.normal(k2, (2 * MAX_LENGTH, DIM), dtype=jnp.float32)
    return {"hidden_states": hidden_states, "pe_k_weight": pe_k_weight}

def reference(hidden_states, pe_k_weight):
    seq_len = hidden_states.shape[1]
    pos_seq = jnp.arange(0, seq_len, dtype=jnp.int64 if jax.config.jax_enable_x64 else jnp.int32)
    rel = pos_seq[:, None] - pos_seq[None, :]
    rel = jnp.where(rel < -MAX_LENGTH, -MAX_LENGTH, jnp.where(rel >= MAX_LENGTH, MAX_LENGTH - 1, rel))
    rel = rel + MAX_LENGTH
    return jnp.take(pe_k_weight, rel, axis=0)

if __name__ == "__main__":
    import jax
    _d = setup_inputs()
    print(jax.jit(kernel)(*tuple(_d.values())))

</pallas_src>

<mosaic_0001>
#map = affine_map<(d0, d1) -> (0, 0)>
#map1 = affine_map<(d0, d1) -> (0, 0, 0)>
module attributes {stable_mosaic.version = 14 : i64} {
  func.func @stream(%arg0: i32, %arg1: i32, %arg2: memref<4096x64xf32, #tpu.memory_space<hbm>>, %arg3: memref<2048x2048x64xf32, #tpu.memory_space<hbm>>, %arg4: memref<1088x64xf32, #tpu.memory_space<vmem>>, %arg5: memref<!tpu.dma_semaphore, #tpu.memory_space<semaphore_mem>>) attributes {dimension_semantics = [#tpu.dimension_semantics<core_parallel>, #tpu.dimension_semantics<subcore_parallel>], iteration_bounds = array<i64: 2, 16>, scalar_prefetch = 0 : i64, scratch_operands = 2 : i64, tpu.core_type = #tpu.core_type<sc_vector_subcore>, window_params = [{transform_indices = #map}, {transform_indices = #map1}]} {
    %mul3A = arith.constant 2 : i32
    %mul3A_0 = arith.muli %arg1, %mul3A : i32
    %add3A = arith.addi %mul3A_0, %arg0 : i32
    %mul3A_1 = arith.constant 64 : i32
    %mul3A_2 = arith.muli %add3A, %mul3A_1 : i32
    %sub3A = arith.constant 1984 : i32
    %sub3A_3 = arith.subi %sub3A, %mul3A_2 : i32
    %add3A_4 = arith.constant 0 : i32
    %add3A_5 = arith.addi %sub3A_3, %add3A_4 : i32
    "tpu.region"() ({
      %run_scoped3A = tpu.sem_alloc : memref<!tpu.dma_semaphore, #tpu.memory_space<semaphore_mem>>
      %dma_start3A = arith.constant 0 : i32
      %dma_start3A_33 = tpu.memref_slice %arg2[%add3A_5, %dma_start3A] : memref<4096x64xf32, #tpu.memory_space<hbm>> -> memref<1088x64xf32, #tpu.memory_space<hbm>>
      %dma_start3A_34 = arith.constant 0 : i32
      %dma_start3A_35 = tpu.memref_slice %arg2[%add3A_5, %dma_start3A_34] : memref<4096x64xf32, #tpu.memory_space<hbm>> -> memref<1088x64xf32, #tpu.memory_space<hbm>>
      tpu.enqueue_dma source(%dma_start3A_35 : memref<1088x64xf32, #tpu.memory_space<hbm>>) target(%arg4 : memref<1088x64xf32, #tpu.memory_space<vmem>>) target_semaphore(%run_scoped3A : memref<!tpu.dma_semaphore, #tpu.memory_space<semaphore_mem>>)
      %dma_wait3A = arith.constant 0 : i32
      %dma_wait3A_36 = tpu.memref_slice %arg2[%add3A_5, %dma_wait3A] : memref<4096x64xf32, #tpu.memory_space<hbm>> -> memref<1088x64xf32, #tpu.memory_space<hbm>>
      %dma_wait3A_37 = arith.constant 0 : i32
      %dma_wait3A_38 = tpu.memref_slice %arg2[%add3A_5, %dma_wait3A_37] : memref<4096x64xf32, #tpu.memory_space<hbm>> -> memref<1088x64xf32, #tpu.memory_space<hbm>>
      tpu.wait_dma2 semaphore(%run_scoped3A : memref<!tpu.dma_semaphore, #tpu.memory_space<semaphore_mem>>) src(%dma_wait3A_38 : memref<1088x64xf32, #tpu.memory_space<hbm>>) dst(%arg4 : memref<1088x64xf32, #tpu.memory_space<vmem>>)
      tpu.yield
    }) : () -> ()
    %scan3A = arith.constant 0 : i32
    %scan3A_6 = arith.constant 0 : i32
    %scan3A_7 = arith.constant 64 : i32
    %scan3A_8 = arith.addi %scan3A_6, %scan3A_7 : i32
    %scan3A_9 = arith.constant 1 : i32
    scf.for %scan3A_33 = %scan3A_6 to %scan3A_8 step %scan3A_9  : i32 {
      %sub3A_34 = arith.constant 63 : i32
      %sub3A_35 = arith.subi %sub3A_34, %scan3A_33 : i32
      %add3A_36 = arith.addi %mul3A_2, %scan3A_33 : i32
      %dma_start3A = arith.constant 0 : i32
      %dma_start3A_37 = tpu.memref_slice %arg4[%sub3A_35, %dma_start3A] : memref<1088x64xf32, #tpu.memory_space<vmem>> -> memref<1024x64xf32, #tpu.memory_space<vmem>>
      %dma_start3A_38 = arith.constant 0 : i32
      %dma_start3A_39 = arith.constant 0 : i32
      %dma_start3A_40 = tpu.memref_slice %arg3[%add3A_36, %dma_start3A_38, %dma_start3A_39] : memref<2048x2048x64xf32, #tpu.memory_space<hbm>> -> memref<1x1024x64xf32, #tpu.memory_space<hbm>>
      %dma_start3A_41 = tpu.memref_squeeze %dma_start3A_40 : memref<1x1024x64xf32, #tpu.memory_space<hbm>> -> memref<1024x64xf32, #tpu.memory_space<hbm>>
      %dma_start3A_42 = arith.constant 0 : i32
      %dma_start3A_43 = arith.constant 0 : i32
      %dma_start3A_44 = tpu.memref_slice %arg3[%add3A_36, %dma_start3A_42, %dma_start3A_43] : memref<2048x2048x64xf32, #tpu.memory_space<hbm>> -> memref<1x1024x64xf32, #tpu.memory_space<hbm>>
      %dma_start3A_45 = tpu.memref_squeeze %dma_start3A_44 : memref<1x1024x64xf32, #tpu.memory_space<hbm>> -> memref<1024x64xf32, #tpu.memory_space<hbm>>
      %dma_start3A_46 = arith.constant 0 : i32
      %dma_start3A_47 = tpu.memref_slice %arg4[%sub3A_35, %dma_start3A_46] : memref<1088x64xf32, #tpu.memory_space<vmem>> -> memref<1024x64xf32, #tpu.memory_space<vmem>>
      tpu.enqueue_dma source(%dma_start3A_47 : memref<1024x64xf32, #tpu.memory_space<vmem>>) target(%dma_start3A_45 : memref<1024x64xf32, #tpu.memory_space<hbm>>) target_semaphore(%arg5 : memref<!tpu.dma_semaphore, #tpu.memory_space<semaphore_mem>>)
    }
    %scan3A_10 = arith.constant 64 : i32
    %scan3A_11 = arith.constant 0 : i32
    %scan3A_12 = arith.constant 0 : i32
    %scan3A_13 = arith.constant 64 : i32
    %scan3A_14 = arith.addi %scan3A_12, %scan3A_13 : i32
    %scan3A_15 = arith.constant 1 : i32
    scf.for %scan3A_33 = %scan3A_12 to %scan3A_14 step %scan3A_15  : i32 {
      %sub3A_34 = arith.constant 63 : i32
      %sub3A_35 = arith.subi %sub3A_34, %scan3A_33 : i32
      %add3A_36 = arith.addi %mul3A_2, %scan3A_33 : i32
      %dma_wait3A = arith.constant 0 : i32
      %dma_wait3A_37 = tpu.memref_slice %arg4[%sub3A_35, %dma_wait3A] : memref<1088x64xf32, #tpu.memory_space<vmem>> -> memref<1024x64xf32, #tpu.memory_space<vmem>>
      %dma_wait3A_38 = arith.constant 0 : i32
      %dma_wait3A_39 = arith.constant 0 : i32
      %dma_wait3A_40 = tpu.memref_slice %arg3[%add3A_36, %dma_wait3A_38, %dma_wait3A_39] : memref<2048x2048x64xf32, #tpu.memory_space<hbm>> -> memref<1x1024x64xf32, #tpu.memory_space<hbm>>
      %dma_wait3A_41 = tpu.memref_squeeze %dma_wait3A_40 : memref<1x1024x64xf32, #tpu.memory_space<hbm>> -> memref<1024x64xf32, #tpu.memory_space<hbm>>
      %dma_wait3A_42 = arith.constant 0 : i32
      %dma_wait3A_43 = arith.constant 0 : i32
      %dma_wait3A_44 = tpu.memref_slice %arg3[%add3A_36, %dma_wait3A_42, %dma_wait3A_43] : memref<2048x2048x64xf32, #tpu.memory_space<hbm>> -> memref<1x1024x64xf32, #tpu.memory_space<hbm>>
      %dma_wait3A_45 = tpu.memref_squeeze %dma_wait3A_44 : memref<1x1024x64xf32, #tpu.memory_space<hbm>> -> memref<1024x64xf32, #tpu.memory_space<hbm>>
      %dma_wait3A_46 = arith.constant 0 : i32
      %dma_wait3A_47 = tpu.memref_slice %arg4[%sub3A_35, %dma_wait3A_46] : memref<1088x64xf32, #tpu.memory_space<vmem>> -> memref<1024x64xf32, #tpu.memory_space<vmem>>
      tpu.wait_dma2 semaphore(%arg5 : memref<!tpu.dma_semaphore, #tpu.memory_space<semaphore_mem>>) src(%dma_wait3A_47 : memref<1024x64xf32, #tpu.memory_space<vmem>>) dst(%dma_wait3A_45 : memref<1024x64xf32, #tpu.memory_space<hbm>>)
    }
    %scan3A_16 = arith.constant 64 : i32
    %sub3A_17 = arith.constant 1984 : i32
    %sub3A_18 = arith.subi %sub3A_17, %mul3A_2 : i32
    %add3A_19 = arith.constant 1024 : i32
    %add3A_20 = arith.addi %sub3A_18, %add3A_19 : i32
    "tpu.region"() ({
      %run_scoped3A = tpu.sem_alloc : memref<!tpu.dma_semaphore, #tpu.memory_space<semaphore_mem>>
      %dma_start3A = arith.constant 0 : i32
      %dma_start3A_33 = tpu.memref_slice %arg2[%add3A_20, %dma_start3A] : memref<4096x64xf32, #tpu.memory_space<hbm>> -> memref<1088x64xf32, #tpu.memory_space<hbm>>
      %dma_start3A_34 = arith.constant 0 : i32
      %dma_start3A_35 = tpu.memref_slice %arg2[%add3A_20, %dma_start3A_34] : memref<4096x64xf32, #tpu.memory_space<hbm>> -> memref<1088x64xf32, #tpu.memory_space<hbm>>
      tpu.enqueue_dma source(%dma_start3A_35 : memref<1088x64xf32, #tpu.memory_space<hbm>>) target(%arg4 : memref<1088x64xf32, #tpu.memory_space<vmem>>) target_semaphore(%run_scoped3A : memref<!tpu.dma_semaphore, #tpu.memory_space<semaphore_mem>>)
      %dma_wait3A = arith.constant 0 : i32
      %dma_wait3A_36 = tpu.memref_slice %arg2[%add3A_20, %dma_wait3A] : memref<4096x64xf32, #tpu.memory_space<hbm>> -> memref<1088x64xf32, #tpu.memory_space<hbm>>
      %dma_wait3A_37 = arith.constant 0 : i32
      %dma_wait3A_38 = tpu.memref_slice %arg2[%add3A_20, %dma_wait3A_37] : memref<4096x64xf32, #tpu.memory_space<hbm>> -> memref<1088x64xf32, #tpu.memory_space<hbm>>
      tpu.wait_dma2 semaphore(%run_scoped3A : memref<!tpu.dma_semaphore, #tpu.memory_space<semaphore_mem>>) src(%dma_wait3A_38 : memref<1088x64xf32, #tpu.memory_space<hbm>>) dst(%arg4 : memref<1088x64xf32, #tpu.memory_space<vmem>>)
      tpu.yield
    }) : () -> ()
    %scan3A_21 = arith.constant 0 : i32
    %scan3A_22 = arith.constant 0 : i32
    %scan3A_23 = arith.constant 64 : i32
    %scan3A_24 = arith.addi %scan3A_22, %scan3A_23 : i32
    %scan3A_25 = arith.constant 1 : i32
    scf.for %scan3A_33 = %scan3A_22 to %scan3A_24 step %scan3A_25  : i32 {
      %sub3A_34 = arith.constant 63 : i32
      %sub3A_35 = arith.subi %sub3A_34, %scan3A_33 : i32
      %add3A_36 = arith.addi %mul3A_2, %scan3A_33 : i32
      %dma_start3A = arith.constant 0 : i32
      %dma_start3A_37 = tpu.memref_slice %arg4[%sub3A_35, %dma_start3A] : memref<1088x64xf32, #tpu.memory_space<vmem>> -> memref<1024x64xf32, #tpu.memory_space<vmem>>
      %dma_start3A_38 = arith.constant 1024 : i32
      %dma_start3A_39 = arith.constant 0 : i32
      %dma_start3A_40 = tpu.memref_slice %arg3[%add3A_36, %dma_start3A_38, %dma_start3A_39] : memref<2048x2048x64xf32, #tpu.memory_space<hbm>> -> memref<1x1024x64xf32, #tpu.memory_space<hbm>>
      %dma_start3A_41 = tpu.memref_squeeze %dma_start3A_40 : memref<1x1024x64xf32, #tpu.memory_space<hbm>> -> memref<1024x64xf32, #tpu.memory_space<hbm>>
      %dma_start3A_42 = arith.constant 1024 : i32
      %dma_start3A_43 = arith.constant 0 : i32
      %dma_start3A_44 = tpu.memref_slice %arg3[%add3A_36, %dma_start3A_42, %dma_start3A_43] : memref<2048x2048x64xf32, #tpu.memory_space<hbm>> -> memref<1x1024x64xf32, #tpu.memory_space<hbm>>
      %dma_start3A_45 = tpu.memref_squeeze %dma_start3A_44 : memref<1x1024x64xf32, #tpu.memory_space<hbm>> -> memref<1024x64xf32, #tpu.memory_space<hbm>>
      %dma_start3A_46 = arith.constant 0 : i32
      %dma_start3A_47 = tpu.memref_slice %arg4[%sub3A_35, %dma_start3A_46] : memref<1088x64xf32, #tpu.memory_space<vmem>> -> memref<1024x64xf32, #tpu.memory_space<vmem>>
      tpu.enqueue_dma source(%dma_start3A_47 : memref<1024x64xf32, #tpu.memory_space<vmem>>) target(%dma_start3A_45 : memref<1024x64xf32, #tpu.memory_space<hbm>>) target_semaphore(%arg5 : memref<!tpu.dma_semaphore, #tpu.memory_space<semaphore_mem>>)
    }
    %scan3A_26 = arith.constant 64 : i32
    %scan3A_27 = arith.constant 0 : i32
    %scan3A_28 = arith.constant 0 : i32
    %scan3A_29 = arith.constant 64 : i32
    %scan3A_30 = arith.addi %scan3A_28, %scan3A_29 : i32
    %scan3A_31 = arith.constant 1 : i32
    scf.for %scan3A_33 = %scan3A_28 to %scan3A_30 step %scan3A_31  : i32 {
      %sub3A_34 = arith.constant 63 : i32
      %sub3A_35 = arith.subi %sub3A_34, %scan3A_33 : i32
      %add3A_36 = arith.addi %mul3A_2, %scan3A_33 : i32
      %dma_wait3A = arith.constant 0 : i32
      %dma_wait3A_37 = tpu.memref_slice %arg4[%sub3A_35, %dma_wait3A] : memref<1088x64xf32, #tpu.memory_space<vmem>> -> memref<1024x64xf32, #tpu.memory_space<vmem>>
      %dma_wait3A_38 = arith.constant 1024 : i32
      %dma_wait3A_39 = arith.constant 0 : i32
      %dma_wait3A_40 = tpu.memref_slice %arg3[%add3A_36, %dma_wait3A_38, %dma_wait3A_39] : memref<2048x2048x64xf32, #tpu.memory_space<hbm>> -> memref<1x1024x64xf32, #tpu.memory_space<hbm>>
      %dma_wait3A_41 = tpu.memref_squeeze %dma_wait3A_40 : memref<1x1024x64xf32, #tpu.memory_space<hbm>> -> memref<1024x64xf32, #tpu.memory_space<hbm>>
      %dma_wait3A_42 = arith.constant 1024 : i32
      %dma_wait3A_43 = arith.constant 0 : i32
      %dma_wait3A_44 = tpu.memref_slice %arg3[%add3A_36, %dma_wait3A_42, %dma_wait3A_43] : memref<2048x2048x64xf32, #tpu.memory_space<hbm>> -> memref<1x1024x64xf32, #tpu.memory_space<hbm>>
      %dma_wait3A_45 = tpu.memref_squeeze %dma_wait3A_44 : memref<1x1024x64xf32, #tpu.memory_space<hbm>> -> memref<1024x64xf32, #tpu.memory_space<hbm>>
      %dma_wait3A_46 = arith.constant 0 : i32
      %dma_wait3A_47 = tpu.memref_slice %arg4[%sub3A_35, %dma_wait3A_46] : memref<1088x64xf32, #tpu.memory_space<vmem>> -> memref<1024x64xf32, #tpu.memory_space<vmem>>
      tpu.wait_dma2 semaphore(%arg5 : memref<!tpu.dma_semaphore, #tpu.memory_space<semaphore_mem>>) src(%dma_wait3A_47 : memref<1024x64xf32, #tpu.memory_space<vmem>>) dst(%dma_wait3A_45 : memref<1024x64xf32, #tpu.memory_space<hbm>>)
    }
    %scan3A_32 = arith.constant 64 : i32
    return
  }
}

#map = affine_map<(d0, d1) -> (0)>
#map1 = affine_map<(d0, d1) -> (0, 0)>
module attributes {stable_mosaic.version = 14 : i64} {
  func.func @build(%arg0: i32, %arg1: i32, %arg2: memref<20480xf32, #tpu.memory_space<hbm>>, %arg3: memref<4096x64xf32, #tpu.memory_space<hbm>>, %arg4: memref<20480xf32, #tpu.memory_space<vmem>>, %arg5: memref<128x64xf32, #tpu.memory_space<vmem>>) attributes {dimension_semantics = [#tpu.dimension_semantics<core_parallel>, #tpu.dimension_semantics<subcore_parallel>], iteration_bounds = array<i64: 2, 16>, scalar_prefetch = 0 : i64, scratch_operands = 2 : i64, tpu.core_type = #tpu.core_type<sc_vector_subcore>, window_params = [{transform_indices = #map}, {transform_indices = #map1}]} {
    %mul3A = arith.constant 2 : i32
    %mul3A_0 = arith.muli %arg1, %mul3A : i32
    %add3A = arith.addi %mul3A_0, %arg0 : i32
    "tpu.region"() ({
      %run_scoped3A = tpu.sem_alloc : memref<!tpu.dma_semaphore, #tpu.memory_space<semaphore_mem>>
      tpu.enqueue_dma source(%arg2 : memref<20480xf32, #tpu.memory_space<hbm>>) target(%arg4 : memref<20480xf32, #tpu.memory_space<vmem>>) target_semaphore(%run_scoped3A : memref<!tpu.dma_semaphore, #tpu.memory_space<semaphore_mem>>)
      tpu.wait_dma2 semaphore(%run_scoped3A : memref<!tpu.dma_semaphore, #tpu.memory_space<semaphore_mem>>) src(%arg2 : memref<20480xf32, #tpu.memory_space<hbm>>) dst(%arg4 : memref<20480xf32, #tpu.memory_space<vmem>>)
      tpu.yield
    }) : () -> ()
    %mul3A_1 = arith.constant 128 : i32
    %mul3A_2 = arith.muli %add3A, %mul3A_1 : i32
    %scan3A = arith.constant 0 : i32
    %scan3A_3 = arith.constant 0 : i32
    %scan3A_4 = arith.constant 128 : i32
    %scan3A_5 = arith.addi %scan3A_3, %scan3A_4 : i32
    %scan3A_6 = arith.constant 1 : i32
    scf.for %scan3A_8 = %scan3A_3 to %scan3A_5 step %scan3A_6  : i32 {
      %add3A_9 = arith.addi %mul3A_2, %scan3A_8 : i32
      %sub3A = arith.constant 2207 : i32
      %sub3A_10 = arith.subi %sub3A, %add3A_9 : i32
      %jit3A = arith.constant 0 : i32
      %jit3A_11 = arith.constant 319 : i32
      %max3A = arith.maxsi %jit3A, %sub3A_10 : i32
      %min3A = arith.minsi %jit3A_11, %max3A : i32
      %mul3A_12 = arith.constant 64 : i32
      %mul3A_13 = arith.muli %min3A, %mul3A_12 : i32
      %multiple_of3A = tpu.assume_multiple %mul3A_13, 64 : i32
      %add3A_14 = arith.constant 0 : i32
      %add3A_15 = arith.addi %multiple_of3A, %add3A_14 : i32
      %get3A = arith.index_cast %add3A_15 : i32 to index
      %get3A_16 = tpu.vector_load %arg4[%get3A] {strides = array<i32>} : memref<20480xf32, #tpu.memory_space<vmem>>, vector<16xf32>,
      %get3A_17 = vector.shape_cast %get3A_16 : vector<16xf32> to vector<16xf32>
      %swap3A = arith.index_cast %scan3A_8 : i32 to index
      %swap3A_18 = arith.constant 0 : index
      %swap3A_19 = tpu.vector_load %arg5[%swap3A, %swap3A_18] {strides = array<i32>} : memref<128x64xf32, #tpu.memory_space<vmem>>, vector<1x16xf32>,
      %swap3A_20 = vector.shape_cast %swap3A_19 : vector<1x16xf32> to vector<16xf32>
      %swap3A_21 = vector.shape_cast %get3A_17 : vector<16xf32> to vector<1x16xf32>
      tpu.vector_store %arg5[%swap3A, %swap3A_18], %swap3A_21 {strides = array<i32>} : memref<128x64xf32, #tpu.memory_space<vmem>>, vector<1x16xf32>,
      %add3A_22 = arith.constant 16 : i32
      %add3A_23 = arith.addi %multiple_of3A, %add3A_22 : i32
      %get3A_24 = arith.index_cast %add3A_23 : i32 to index
      %get3A_25 = tpu.vector_load %arg4[%get3A_24] {strides = array<i32>} : memref<20480xf32, #tpu.memory_space<vmem>>, vector<16xf32>,
      %get3A_26 = vector.shape_cast %get3A_25 : vector<16xf32> to vector<16xf32>
      %swap3A_27 = arith.index_cast %scan3A_8 : i32 to index
      %swap3A_28 = arith.constant 16 : index
      %swap3A_29 = tpu.vector_load %arg5[%swap3A_27, %swap3A_28] {strides = array<i32>} : memref<128x64xf32, #tpu.memory_space<vmem>>, vector<1x16xf32>,
      %swap3A_30 = vector.shape_cast %swap3A_29 : vector<1x16xf32> to vector<16xf32>
      %swap3A_31 = vector.shape_cast %get3A_26 : vector<16xf32> to vector<1x16xf32>
      tpu.vector_store %arg5[%swap3A_27, %swap3A_28], %swap3A_31 {strides = array<i32>} : memref<128x64xf32, #tpu.memory_space<vmem>>, vector<1x16xf32>,
      %add3A_32 = arith.constant 32 : i32
      %add3A_33 = arith.addi %multiple_of3A, %add3A_32 : i32
      %get3A_34 = arith.index_cast %add3A_33 : i32 to index
      %get3A_35 = tpu.vector_load %arg4[%get3A_34] {strides = array<i32>} : memref<20480xf32, #tpu.memory_space<vmem>>, vector<16xf32>,
      %get3A_36 = vector.shape_cast %get3A_35 : vector<16xf32> to vector<16xf32>
      %swap3A_37 = arith.index_cast %scan3A_8 : i32 to index
      %swap3A_38 = arith.constant 32 : index
      %swap3A_39 = tpu.vector_load %arg5[%swap3A_37, %swap3A_38] {strides = array<i32>} : memref<128x64xf32, #tpu.memory_space<vmem>>, vector<1x16xf32>,
      %swap3A_40 = vector.shape_cast %swap3A_39 : vector<1x16xf32> to vector<16xf32>
      %swap3A_41 = vector.shape_cast %get3A_36 : vector<16xf32> to vector<1x16xf32>
      tpu.vector_store %arg5[%swap3A_37, %swap3A_38], %swap3A_41 {strides = array<i32>} : memref<128x64xf32, #tpu.memory_space<vmem>>, vector<1x16xf32>,
      %add3A_42 = arith.constant 48 : i32
      %add3A_43 = arith.addi %multiple_of3A, %add3A_42 : i32
      %get3A_44 = arith.index_cast %add3A_43 : i32 to index
      %get3A_45 = tpu.vector_load %arg4[%get3A_44] {strides = array<i32>} : memref<20480xf32, #tpu.memory_space<vmem>>, vector<16xf32>,
      %get3A_46 = vector.shape_cast %get3A_45 : vector<16xf32> to vector<16xf32>
      %swap3A_47 = arith.index_cast %scan3A_8 : i32 to index
      %swap3A_48 = arith.constant 48 : index
      %swap3A_49 = tpu.vector_load %arg5[%swap3A_47, %swap3A_48] {strides = array<i32>} : memref<128x64xf32, #tpu.memory_space<vmem>>, vector<1x16xf32>,
      %swap3A_50 = vector.shape_cast %swap3A_49 : vector<1x16xf32> to vector<16xf32>
      %swap3A_51 = vector.shape_cast %get3A_46 : vector<16xf32> to vector<1x16xf32>
      tpu.vector_store %arg5[%swap3A_47, %swap3A_48], %swap3A_51 {strides = array<i32>} : memref<128x64xf32, #tpu.memory_space<vmem>>, vector<1x16xf32>,
    }
    %scan3A_7 = arith.constant 128 : i32
    "tpu.region"() ({
      %run_scoped3A = tpu.sem_alloc : memref<!tpu.dma_semaphore, #tpu.memory_space<semaphore_mem>>
      %dma_start3A = arith.constant 0 : i32
      %dma_start3A_8 = tpu.memref_slice %arg3[%mul3A_2, %dma_start3A] : memref<4096x64xf32, #tpu.memory_space<hbm>> -> memref<128x64xf32, #tpu.memory_space<hbm>>
      %dma_start3A_9 = arith.constant 0 : i32
      %dma_start3A_10 = tpu.memref_slice %arg3[%mul3A_2, %dma_start3A_9] : memref<4096x64xf32, #tpu.memory_space<hbm>> -> memref<128x64xf32, #tpu.memory_space<hbm>>
      tpu.enqueue_dma source(%arg5 : memref<128x64xf32, #tpu.memory_space<vmem>>) target(%dma_start3A_10 : memref<128x64xf32, #tpu.memory_space<hbm>>) target_semaphore(%run_scoped3A : memref<!tpu.dma_semaphore, #tpu.memory_space<semaphore_mem>>)
      %dma_wait3A = arith.constant 0 : i32
      %dma_wait3A_11 = tpu.memref_slice %arg3[%mul3A_2, %dma_wait3A] : memref<4096x64xf32, #tpu.memory_space<hbm>> -> memref<128x64xf32, #tpu.memory_space<hbm>>
      %dma_wait3A_12 = arith.constant 0 : i32
      %dma_wait3A_13 = tpu.memref_slice %arg3[%mul3A_2, %dma_wait3A_12] : memref<4096x64xf32, #tpu.memory_space<hbm>> -> memref<128x64xf32, #tpu.memory_space<hbm>>
      tpu.wait_dma2 semaphore(%run_scoped3A : memref<!tpu.dma_semaphore, #tpu.memory_space<semaphore_mem>>) src(%arg5 : memref<128x64xf32, #tpu.memory_space<vmem>>) dst(%dma_wait3A_13 : memref<128x64xf32, #tpu.memory_space<hbm>>)
      tpu.yield
    }) : () -> ()
    return
  }
}

</mosaic_0001>

<sc_bundles>
// kernel: kernel.4.cloned.1.call-start
scs
__scs_entry_jumppad:
0x0: {  	(pc) =	sbr.rel $0x88, $3  }
0x1: {  	(tag) =	ssettag $0x0;
	lr =	simm.s32 $0x1  }
0x2: {  	[smem:$0x3FA0] =	sst lr;
	_ =	strace $0xD0000000  }
0x3: {  	_ = 	snop  }
0x4: {  	_ = 	snop  }
0x5: {  	_ = 	snop  }
0x6: {  	_ = 	snop  }
0x7: {  	_ = 	snop  }
__scs_overlays_trampoline_lowered:
0x8: {  	[smem:$0x3FAF] =	sst s0  }
0x9: {  	[smem:$0x3FB0] =	sst s1  }
0xa: {  	[smem:$0x3FB1] =	sst s2  }
0xb: {  	[smem:$0x3FB2] =	sst s3  }
0xc: {  	[smem:$0x3FB3] =	sst s4  }
0xd: {  	[smem:$0x3FB4] =	sst s5  }
0xe: {  	[smem:$0x3FB5] =	sst s6  }
0xf: {  	[smem:$0x3FB6] =	sst s7  }
0x10: {  	[smem:$0x3FB7] =	sst s8  }
0x11: {  	[smem:$0x3FB8] =	sst s9;
	s0 =	simm.s32 @!p0 $0x0  }
0x12: {  	s1 =	sld [smem:$0x3F9E];
	s0 =	simm.s32 @p0 $0x1  }
0x13: {  	[smem:$0x3FB9] =	sst s0;
	s0 =	simm.s32 @!p1 $0x0  }
0x14: {  	s2 =	sld [smem:$0x3F9D];
	s0 =	simm.s32 @p1 $0x1  }
0x15: {  	[smem:$0x3FBA] =	sst s0;
	s0 =	simm.s32 @!p2 $0x0  }
0x16: {  	s3 =	sld [smem:$0x3FDB];
	s0 =	simm.s32 @p2 $0x1  }
0x17: {  	s4 =	simm.s32 $0x1BF5;
	[smem:$0x3FBC] =	sst s0  }
0x18: {  	s0 =	sld [smem:$0x3F9F];
	_ =	swait.ge [sflag:s4], $0x0  }
0x19: {  	s7 =	sld [smem:$0x3FA0]  }
0x1a: {  	s8 =	sadd.s32 $0xFFFFE003, lr  }
0x1b: {  	s9 =	sadd.s32 $0xFFFFFEF7, lr;
	s5 =	simm.s32 $0xFFFFFFFF;
	p2 =	slt.u32 s8, $0xFFFFF086  }
0x1c: {  	p1 =	slt.u32 s9, $0xF7A;
	s5 =	simm.s32 @!p2 $0x0  }
0x1d: {  	s5 =	simm.s32 @p1 $0x1;
	p0 =	seq.s32 s7, s2  }
0x1e: {  	s7 =	smul.u32 @!p0 $0xF7A, s2;
	p2 =	seq.s32 @!p0 s5, $0x0  }
0x1f: {  	s9 =	smul.u32 $0xF7A, s1;
	s8 =	simm.s32 @!p0 $0x1BF5;
	p2 =	por !p2, p0  }
0x20: {  	[sflag:s8] =	ssyncset.s32 @!p0 $0xFFFFF086;
	s6 =	sadd.s32 @!p0 s3, s7;
	s7 =	simm.s32 @!p0 $0x108  }
0x21: {  	s3 =	sadd.s32 s3, s9;
	s6 =	sadd.s32 @!p0 $0x88, s6;
	s7 =	simm.s32 @p2 $0x1082  }
0x22: {  	[simem:s7], [sflag:s8] =	dma.local @!p0 [hbm:s6], $0xF7A  }
0x23: {  	s9 =	sor.u32 $0xD0000000, s2;
	s6 =	simm.s32 $0x108;
	_ =	swait.ge @!p0 [sflag:s8], $0x0  }
0x24: {  	s3 =	sadd.s32 $0x88, s3;
	s6 =	simm.s32 @!p1 $0x1082;
	[sflag:s4] =	ssyncset.s32 $0xFFFFF086  }
0x25: {  	[simem:s6], [sflag:s4] =	dma.local [hbm:s3], $0xF7A  }
0x26: {  	[smem:$0x3FA0] =	sst s1;
	(tag) =	ssettag s2;
	_ =	strace s9  }
0x27: {  	s1 =	sld [smem:$0x3FB0]  }
0x28: {  	s2 =	sld [smem:$0x3FB1]  }
0x29: {  	s4 =	sld [smem:$0x3FB3]  }
0x2a: {  	p0 =	seq.s32 s5, $0x0;
	s5 =	sld [smem:$0x3FB4]  }
0x2b: {  	s6 =	sld [smem:$0x3FB5]  }
0x2c: {  	s7 =	sld [smem:$0x3FB6]  }
0x2d: {  	s3 =	simm.s32 $0x108;
	s8 =	sld [smem:$0x3FB7]  }
0x2e: {  	s3 =	simm.s32 @!p0 $0x1082;
	s9 =	sld [smem:$0x3FB8]  }
0x2f: {  	lr =	sadd.s32 s0, s3;
	s0 =	sld [smem:$0x3FAF]  }
0x30: {  	s3 =	sld [smem:$0x3FB2]  }
0x31: {  	[smem:$0x3FBB] =	sst s10  }
0x32: {  	s10 =	sld [smem:$0x3FB9];
	_ =	sdelay $0x3  }
0x33: {  	p0 =	seq.s32 s10, $0x1;
	s10 =	sld [smem:$0x3FBB];
	_ =	sdelay $0x3  }
0x34: {  	[smem:$0x3FBB] =	sst s10  }
0x35: {  	s10 =	sld [smem:$0x3FBA];
	_ =	sdelay $0x3  }
0x36: {  	p1 =	seq.s32 s10, $0x1;
	s10 =	sld [smem:$0x3FBB];
	_ =	sdelay $0x3  }
0x37: {  	[smem:$0x3FBB] =	sst s10  }
0x38: {  	s10 =	sld [smem:$0x3FBC]  }
0x39: {  	_ = 	snop;
	(pc) =	sbr.ind lr, $3  }
0x3a: {  	_ = 	snop  }
0x3b: {  	_ = 	snop  }
0x3c: {  	p2 =	seq.s32 s10, $0x1;
	s10 =	sld [smem:$0x3FBB]  }
0x3d: {  	_ =	shalt  }
0x3e: {  	_ =	shalt  }
0x3f: {  	_ =	shalt  }
0x40: {  	_ =	shalt  }
0x41: {  	_ =	shalt  }
0x42: {  	_ =	shalt  }
0x43: {  	_ =	shalt  }
0x44: {  	_ =	shalt  }
0x45: {  	_ =	shalt  }
0x46: {  	_ =	shalt  }
0x47: {  	_ =	shalt  }
0x48: {  	_ =	shalt  }
0x49: {  	_ =	shalt  }
0x4a: {  	_ =	shalt  }
0x4b: {  	_ =	shalt  }
0x4c: {  	_ =	shalt  }
0x4d: {  	_ =	shalt  }
0x4e: {  	_ =	shalt  }
0x4f: {  	_ =	shalt  }
0x50: {  	_ =	shalt  }
0x51: {  	_ =	shalt  }
0x52: {  	_ =	shalt  }
0x53: {  	_ =	shalt  }
0x54: {  	_ =	shalt  }
0x55: {  	_ =	shalt  }
0x56: {  	_ =	shalt  }
0x57: {  	_ =	shalt  }
0x58: {  	_ =	shalt  }
0x59: {  	_ =	shalt  }
0x5a: {  	_ =	shalt  }
0x5b: {  	_ =	shalt  }
0x5c: {  	_ =	shalt  }
0x5d: {  	_ =	shalt  }
0x5e: {  	_ =	shalt  }
0x5f: {  	_ =	shalt  }
0x60: {  	_ =	shalt  }
0x61: {  	_ =	shalt  }
0x62: {  	_ =	shalt  }
0x63: {  	_ =	shalt  }
0x64: {  	_ =	shalt  }
0x65: {  	_ =	shalt  }
0x66: {  	_ =	shalt  }
0x67: {  	_ =	shalt  }
0x68: {  	_ =	shalt  }
0x69: {  	_ =	shalt  }
0x6a: {  	_ =	shalt  }
0x6b: {  	_ =	shalt  }
0x6c: {  	_ =	shalt  }
0x6d: {  	_ =	shalt  }
0x6e: {  	_ =	shalt  }
0x6f: {  	_ =	shalt  }
0x70: {  	_ =	shalt  }
0x71: {  	_ =	shalt  }
0x72: {  	_ =	shalt  }
0x73: {  	_ =	shalt  }
0x74: {  	_ =	shalt  }
0x75: {  	_ =	shalt  }
0x76: {  	_ =	shalt  }
0x77: {  	_ =	shalt  }
0x78: {  	_ =	shalt  }
0x79: {  	_ =	shalt  }
0x7a: {  	_ =	shalt  }
0x7b: {  	_ =	shalt  }
0x7c: {  	_ =	shalt  }
0x7d: {  	_ =	shalt  }
0x7e: {  	_ =	shalt  }
0x7f: {  	_ =	shalt  }
0x80: {  	_ =	shalt  }
0x81: {  	_ =	shalt  }
0x82: {  	_ =	shalt  }
0x83: {  	_ =	shalt  }
0x84: {  	_ =	shalt  }
0x85: {  	_ =	shalt  }
0x86: {  	_ =	shalt  }
0x87: {  	_ =	shalt  }
.Lfunc_end0:
.L_simem_size_0:
called_computation.1_lowered:
.L_overlay_start_0:
0x88: {  	s2 =	sld [smem:$0x3FD9]  }
0x89: {  	s3 =	sld [smem:$0x3FFE];
	_ =	sdelay $0x1  }
0x8a: {  	s1 =	srdreg.scid  }
0x8b: {  	s0 =	sand.u32 $0x1, s1  }
0x8c: {  	s17 =	sshll.u32 s0, $0xA;
	s2 =	sadd.s32 s3, s2  }
0x8d: {  	s2 =	sadd.s32 s2, s17  }
0x8e: {  	[smem:$0x3FC7] =	sst s2  }
0x8f: {  	_ = 	snop  }
0x90: {  	s2 =	sld [smem:$0x3FD0];
	(tm) =	ssettm $0x1  }
0x91: {  	s18 =	sld [smem:$0x3FFB];
	_ =	sdelay $0x3  }
0x92: {  	_ =	strace s18  }
0x93: {  	s3 =	sld [smem:$0x3FFC];
	_ =	sdelay $0x3  }
0x94: {  	_ =	strace s3  }
0x95: {  	s3 =	sld [smem:$0x3FFD];
	_ =	sdelay $0x3  }
0x96: {  	_ =	strace s3  }
0x97: {  	_ =	strace $0x8FFFFFFF  }
0x98: {  	s19 =	sld [smem:$0x3FDB];
	_ =	sdelay $0x1  }
0x99: {  	s4 =	simm.s32 $_scs_section_size  }
0x9a: {  	s5 =	simm.s32 $_size__tile_overlayer_lowered;
	s6 =	simm.s32 $_tile_overlayer_lowered  }
0x9b: {  	s22 =	simm.s32 $0x1BFF;
	s21 =	sshll.u32 s6, $0x1;
	s3 =	sadd.s32 s4, s19  }
0x9c: {  	s7 =	simm.s32 $0x0;
	s20 =	sshll.u32 s5, $0x1;
	s5 =	sadd.s32 s21, s3  }
0x9d: {  	[timem:s7], [sflag:s22] =	dma.local [hbm:s5], s20  }
0x9e: {  	_ =	swait.ge [sflag:s22], s20  }
0x9f: {  	s4 =	ssub.s32 $0x0, s20;
	[sflag:s22] =	ssyncset.done $0x0  }
0xa0: {  	[sflag:s22] =	ssyncadd.s32 s4;
	_ =	sdelay $0x1  }
0xa1: {  	s23 =	simm.s32 $0x1B8B  }
0xa2: {  	_ =	swait.ge [sflag:s23], $0x1  }
0xa3: {  	[sflag:s23] =	ssyncset.done $0x0  }
0xa4: {  	s25 =	simm.s32 $0x1B8E;
	s24 =	sld [smem:$0x3FFE];
	[sflag:s23] =	ssyncadd.s32 $0xFFFFFFFF  }
0xa5: {  	s26 =	simm.s32 $execute0_lowered;
	[smem:$0x3FD2] =	sst s25  }
0xa6: {  	s5 =	sshll.u32 s26, $0x1;
	_ =	strace $0x80000046;
	[dreg:$0x1] =	wrdreg $0xFFFFFFFF  }
0xa7: {  	s28 =	simm.s32 $_size_execute0_lowered;
	s3 =	sadd.s32 s3, s5;
	[dreg:$0x0] =	wrdreg $0x0  }
0xa8: {  	s5 =	sshll.u32 s28, $0x1;
	[dreg:$0x2] =	wrdreg s3  }
0xa9: {  	[dreg:$0x3] =	wrdreg s5  }
0xaa: {  	[dreg:$0x4] =	wrdreg $0xC0  }
0xab: {  	_ =	task [dreg:s7], $0x5FFFF  }
0xac: {  	[dreg:$0x1] =	wrdreg $0xFFFFFFFF  }
0xad: {  	[dreg:$0x0] =	wrdreg $0x60  }
0xae: {  	[dreg:$0x2] =	wrdreg s2  }
0xaf: {  	[dreg:$0x3] =	wrdreg s24  }
0xb0: {  	[dreg:$0x4] =	wrdreg $0x9  }
0xb1: {  	_ =	task.clear_ibuf [dreg:s7], $0x5FFFF;
	_ =	strace $0x90000046  }
0xb2: {  	s29 =	simm.s32 $0x9;
	_ =	strace $0x80000048  }
0xb3: {  	_ =	swait.ge [sflag:s29], $0x1  }
0xb4: {  	[sflag:s29] =	ssyncadd.s32 $0xFFFFFFFF  }
0xb5: {  	_ =	strace $0x90000048  }
0xb6: {  	_ =	sfence  }
0xb7: {  	s30 =	sld [smem:$0x0];
	_ =	sdelay $0x2  }
0xb8: {  	s31 =	sshll.u32 s1, $0xD;
	s1 =	sshrl.u32 s1, $0x2  }
0xb9: {  	s3 =	sand.u32 $0x4000, s31;
	s1 =	sadd.s32 s1, s30  }
0xba: {  	s0 =	sor.u32 s3, s0;
	s1 =	sshll.u32 s1, $0x11  }
0xbb: {  	s0 =	sor.u32 s1, s0  }
0xbc: {  	s0 =	sadd.s32 $0x8F2B, s0  }
0xbd: {  	[sflag:s0] =	ssyncadd.remote.s32 $0x1  }
0xbe: {  	_ =	sfence.sel $0xFFFF  }
0xbf: {  	[dreg:$0x0] =	wrdreg $0xFFFFFFFF;
	(pc) =	sbr.abs _section_cstart, $3  }
0xc0: {  	[dreg:$0x1] =	wrdreg $0xFFFFFFFF  }
0xc1: {  	_ =	task.clear_ibuf [dreg:s7], $0x2FFFF;
	_ =	strace $0x9FFFFFFF  }
0xc2: {  	(tm) =	ssettm $0x7FFFFFFF  }
0xc3: {  	_ =	shalt  }
tec
execute0_lowered:
.L_overlay_start_1:
0x0: {  	(tag) =	ssettag $0x1  }
0x1: {  	s2 =	rddreg [dreg:$0x0];
	s0 =	srdreg.scid  }
0x2: {  	s4 =	rddreg [dreg:$0x1];
	s1 =	stileid.u32;
	s3 =	simm.s32 $0x0  }
0x3: {  	s9 =	simm.s32 $0x0;
	s5 =	sand.u32 $0x1, s0;
	s0 =	rddreg [dreg:$0x2]  }
0x4: {  	s6 =	sshll.u32 s1, $0x8;
	s7 =	sshll.u32 s5, $0x7;
	s5 =	ssub.s32 $0x2, s5  }
0x5: {  	[smem:$0x7FF] =	sst s3;
	s6 =	sor.u32 s7, s6;
	s8 =	sshrl.u32 s5, $0x1  }
0x6: {  	_ =	strace $0x80000047;
	s7 =	sshll.u32 s6, $0x3;
	s5 =	ssub.s32 s5, s8  }
0x7: {  	s6 =	ssub.s32 $0x89F, s6;
	s8 =	simm.s32 $0x5000;
	s4 =	sadd.s32 s7, s4  }
0x8: {  	s5 =	smax.u32 s5, $0x1;
	s7 =	simm.s32 $0x1;
	s4 =	sadd.s32 $0xC00, s4  }
.LBB2_1:
0x9: {  	[tilespmem:s3], [sflag:$0x1] =	stream.linear.gather [hbm4b:s2+s3], $0x5000, $0x38;
	[tilespmem:$0x7000] =	vst v63  }
0xa: {  	s10 =	sadd.s32 $0x0, s6  }
0xb: {  	p0 =	sgt.s32 s10, $0x0  }
0xc: {  	_ =	swait.ge [sflag:s7], $0x5000;
	s10 =	simm.s32 @!p0 $0x0  }
0xd: {  	[sflag:s7] =	ssyncset.done $0x0;
	s10 =	smin.u32 s10, $0x13F  }
0xe: {  	[sflag:s7] =	ssyncadd.s32 $0xFFFFB000;
	s11 =	sshll.u32 s10, $0x6  }
0xf: {  	v0 =	vld [tilespmem:s11+$0x0];
	_ =	sdelay $0x3  }
0x10: {  	s10 =	simm.s32 $0x5020  }
0x11: {  	[tilespmem:s10+$0xFFFFFFE0] =	vst v0  }
0x12: {  	v0 =	vld [tilespmem:s11+$0x10];
	_ =	sdelay $0x4  }
0x13: {  	[tilespmem:s10+$0xFFFFFFF0] =	vst v0  }
0x14: {  	v0 =	vld [tilespmem:s11+$0x20];
	_ =	sdelay $0x4  }
0x15: {  	[tilespmem:s10+$0x0] =	vst v0  }
0x16: {  	v0 =	vld [tilespmem:s11+$0x30]  }
0x17: {  	s12 =	sadd.s32 $0xFFFFFFFF, s6;
	s11 =	simm.s32 $0xFFFFFFFE  }
.LBB2_2:
0x18: {  	p0 =	sne.s32 s11, $0xFFFFFF81;
	p1 =	sgt.s32 s12, $0x0  }
0x19: {  	s12 =	simm.s32 @!p1 $0x0  }
0x1a: {  	s12 =	smin.u32 s12, $0x13F  }
0x1b: {  	s12 =	sshll.u32 s12, $0x6;
	[tilespmem:s10+$0x10] =	vst v0  }
0x1c: {  	v0 =	vld [tilespmem:s12+$0x0];
	_ =	sdelay $0x3  }
0x1d: {  	s10 =	sadd.s32 $0x40, s10  }
0x1e: {  	[tilespmem:s10+$0xFFFFFFE0] =	vst v0  }
0x1f: {  	v0 =	vld [tilespmem:s12+$0x10];
	_ =	sdelay $0x4  }
0x20: {  	[tilespmem:s10+$0xFFFFFFF0] =	vst v0  }
0x21: {  	v0 =	vld [tilespmem:s12+$0x20];
	_ =	sdelay $0x2  }
.Ltmp0:
0x22: {  	(pc) =	sbr.rel @p0 .LBB2_2-.Ltmp0, $4  }
0x23: {  	_ = 	snop  }
0x24: {  	[tilespmem:s10+$0x0] =	vst v0  }
0x25: {  	v0 =	vld [tilespmem:s12+$0x30]  }
0x26: {  	s12 =	sadd.s32 s11, s6;
	s11 =	sadd.s32 $0xFFFFFFFF, s11  }
0x27: {  	p0 =	sgt.s32 s12, $0x0  }
0x28: {  	s12 =	simm.s32 @!p0 $0x0  }
0x29: {  	s11 =	smin.u32 s12, $0x13F  }
0x2a: {  	s11 =	sshll.u32 s11, $0x6;
	[tilespmem:s10+$0x10] =	vst v0  }
0x2b: {  	v0 =	vld [tilespmem:s11+$0x0];
	_ =	sdelay $0x3  }
0x2c: {  	s31 =	sadd.s32 $0x40, s10  }
0x2d: {  	[tilespmem:s31+$0xFFFFFFE0] =	vst v0  }
0x2e: {  	v0 =	vld [tilespmem:s11+$0x10];
	_ =	sdelay $0x4  }
0x2f: {  	[tilespmem:s31+$0xFFFFFFF0] =	vst v0  }
0x30: {  	v0 =	vld [tilespmem:s11+$0x20];
	_ =	sdelay $0x4  }
0x31: {  	[tilespmem:s31+$0x0] =	vst v0  }
0x32: {  	v0 =	vld [tilespmem:s11+$0x30];
	_ =	sdelay $0x2  }
0x33: {  	s9 =	sadd.s32 $0x1, s9  }
0x34: {  	p0 =	sne.s32 s9, s5  }
.Ltmp1:
0x35: {  	[tilespmem:s31+$0x10] =	vst v0;
	(pc) =	sbr.rel @p0 .LBB2_1-.Ltmp1, $4  }
0x36: {  	[hbm4b:s4+s3] =	stream.linear.scatter [tilespmem:s8], [sflag:$0x1], $0x2000, $0x38;
	[tilespmem:$0x7000] =	vst v63  }
0x37: {  	_ =	swait.ge [sflag:s7], $0x2000  }
0x38: {  	[sflag:s7] =	ssyncset.done $0x0  }
0x39: {  	[sflag:s7] =	ssyncadd.s32 $0xFFFFE000  }
0x3a: {  	_ =	sfence.sel $0x180000  }
0x3b: {  	[bflag:$0x0] =	sbarrier.arrive $0xFFFF  }
0x3c: {  	p0 =	sne.s32 s1, $0x0;
	_ =	strace $0x90000047  }
0x3d: {  	s0 =	sadd.s32 @!p0 $0x100000, s0;
	[bflag:$0x2] =	sbarrier.arrive $0xFFFF  }
0x3e: {  	[sflag:s0] =	ssyncadd.tile.s32 @!p0 $0x1;
	_ =	shalt  }
.Lfunc_end2:
_tile_overlayer_lowered:
.L_overlay_start_2:
0x3f: {  	(tag) =	ssettag $0x2  }
0x40: {  	s0 =	rddreg [dreg:$0x0];
	s2 =	stileid.u32  }
0x41: {  	s1 =	rddreg [dreg:$0x1];
	p0 =	sne.s32 s2, $0x0  }
0x42: {  	s3 =	rddreg [dreg:$0x2];
	[bflag:$0x3] =	sbarrier.arrive $0xFFFF;
	s2 =	simm.s32 @!p0 $0x1C01  }
0x43: {  	[timem:s3], [sflag:s2] =	dma.local @!p0 [hbm:s0], s1  }
0x44: {  	s0 =	simm.s32 @!p0 $0x1  }
0x45: {  	_ =	swait.ge @!p0 [sflag:s0], s1  }
0x46: {  	s1 =	ssub.s32 @!p0 $0x0, s1;
	[sflag:s0] =	ssyncset.done @!p0 $0x0  }
0x47: {  	[sflag:s0] =	ssyncadd.s32 @!p0 s1  }
0x48: {  	[bflag:$0x3] =	sbarrier.arrive $0xFFFF  }
0x49: {  	_ =	shalt  }

// kernel: kernel.7.cloned.1.call-start
scs
__scs_entry_jumppad:
0x0: {  	(pc) =	sbr.rel $0x88, $3  }
0x1: {  	(tag) =	ssettag $0x0;
	lr =	simm.s32 $0x1  }
0x2: {  	[smem:$0x3FA0] =	sst lr;
	_ =	strace $0xD0000000  }
0x3: {  	_ = 	snop  }
0x4: {  	_ = 	snop  }
0x5: {  	_ = 	snop  }
0x6: {  	_ = 	snop  }
0x7: {  	_ = 	snop  }
__scs_overlays_trampoline_lowered:
0x8: {  	[smem:$0x3FAF] =	sst s0  }
0x9: {  	[smem:$0x3FB0] =	sst s1  }
0xa: {  	[smem:$0x3FB1] =	sst s2  }
0xb: {  	[smem:$0x3FB2] =	sst s3  }
0xc: {  	[smem:$0x3FB3] =	sst s4  }
0xd: {  	[smem:$0x3FB4] =	sst s5  }
0xe: {  	[smem:$0x3FB5] =	sst s6  }
0xf: {  	[smem:$0x3FB6] =	sst s7  }
0x10: {  	[smem:$0x3FB7] =	sst s8  }
0x11: {  	[smem:$0x3FB8] =	sst s9;
	s0 =	simm.s32 @!p0 $0x0  }
0x12: {  	s1 =	sld [smem:$0x3F9E];
	s0 =	simm.s32 @p0 $0x1  }
0x13: {  	[smem:$0x3FB9] =	sst s0;
	s0 =	simm.s32 @!p1 $0x0  }
0x14: {  	s2 =	sld [smem:$0x3F9D];
	s0 =	simm.s32 @p1 $0x1  }
0x15: {  	[smem:$0x3FBA] =	sst s0;
	s0 =	simm.s32 @!p2 $0x0  }
0x16: {  	s3 =	sld [smem:$0x3FDB];
	s0 =	simm.s32 @p2 $0x1  }
0x17: {  	s4 =	simm.s32 $0x1BF5;
	[smem:$0x3FBC] =	sst s0  }
0x18: {  	s0 =	sld [smem:$0x3F9F];
	_ =	swait.ge [sflag:s4], $0x0  }
0x19: {  	s7 =	sld [smem:$0x3FA0]  }
0x1a: {  	s8 =	sadd.s32 $0xFFFFE003, lr  }
0x1b: {  	s9 =	sadd.s32 $0xFFFFFEF7, lr;
	s5 =	simm.s32 $0xFFFFFFFF;
	p2 =	slt.u32 s8, $0xFFFFF086  }
0x1c: {  	p1 =	slt.u32 s9, $0xF7A;
	s5 =	simm.s32 @!p2 $0x0  }
0x1d: {  	s5 =	simm.s32 @p1 $0x1;
	p0 =	seq.s32 s7, s2  }
0x1e: {  	s7 =	smul.u32 @!p0 $0xF7A, s2;
	p2 =	seq.s32 @!p0 s5, $0x0  }
0x1f: {  	s9 =	smul.u32 $0xF7A, s1;
	s8 =	simm.s32 @!p0 $0x1BF5;
	p2 =	por !p2, p0  }
0x20: {  	[sflag:s8] =	ssyncset.s32 @!p0 $0xFFFFF086;
	s6 =	sadd.s32 @!p0 s3, s7;
	s7 =	simm.s32 @!p0 $0x108  }
0x21: {  	s3 =	sadd.s32 s3, s9;
	s6 =	sadd.s32 @!p0 $0x88, s6;
	s7 =	simm.s32 @p2 $0x1082  }
0x22: {  	[simem:s7], [sflag:s8] =	dma.local @!p0 [hbm:s6], $0xF7A  }
0x23: {  	s9 =	sor.u32 $0xD0000000, s2;
	s6 =	simm.s32 $0x108;
	_ =	swait.ge @!p0 [sflag:s8], $0x0  }
0x24: {  	s3 =	sadd.s32 $0x88, s3;
	s6 =	simm.s32 @!p1 $0x1082;
	[sflag:s4] =	ssyncset.s32 $0xFFFFF086  }
0x25: {  	[simem:s6], [sflag:s4] =	dma.local [hbm:s3], $0xF7A  }
0x26: {  	[smem:$0x3FA0] =	sst s1;
	(tag) =	ssettag s2;
	_ =	strace s9  }
0x27: {  	s1 =	sld [smem:$0x3FB0]  }
0x28: {  	s2 =	sld [smem:$0x3FB1]  }
0x29: {  	s4 =	sld [smem:$0x3FB3]  }
0x2a: {  	p0 =	seq.s32 s5, $0x0;
	s5 =	sld [smem:$0x3FB4]  }
0x2b: {  	s6 =	sld [smem:$0x3FB5]  }
0x2c: {  	s7 =	sld [smem:$0x3FB6]  }
0x2d: {  	s3 =	simm.s32 $0x108;
	s8 =	sld [smem:$0x3FB7]  }
0x2e: {  	s3 =	simm.s32 @!p0 $0x1082;
	s9 =	sld [smem:$0x3FB8]  }
0x2f: {  	lr =	sadd.s32 s0, s3;
	s0 =	sld [smem:$0x3FAF]  }
0x30: {  	s3 =	sld [smem:$0x3FB2]  }
0x31: {  	[smem:$0x3FBB] =	sst s10  }
0x32: {  	s10 =	sld [smem:$0x3FB9];
	_ =	sdelay $0x3  }
0x33: {  	p0 =	seq.s32 s10, $0x1;
	s10 =	sld [smem:$0x3FBB];
	_ =	sdelay $0x3  }
0x34: {  	[smem:$0x3FBB] =	sst s10  }
0x35: {  	s10 =	sld [smem:$0x3FBA];
	_ =	sdelay $0x3  }
0x36: {  	p1 =	seq.s32 s10, $0x1;
	s10 =	sld [smem:$0x3FBB];
	_ =	sdelay $0x3  }
0x37: {  	[smem:$0x3FBB] =	sst s10  }
0x38: {  	s10 =	sld [smem:$0x3FBC]  }
0x39: {  	_ = 	snop;
	(pc) =	sbr.ind lr, $3  }
0x3a: {  	_ = 	snop  }
0x3b: {  	_ = 	snop  }
0x3c: {  	p2 =	seq.s32 s10, $0x1;
	s10 =	sld [smem:$0x3FBB]  }
0x3d: {  	_ =	shalt  }
0x3e: {  	_ =	shalt  }
0x3f: {  	_ =	shalt  }
0x40: {  	_ =	shalt  }
0x41: {  	_ =	shalt  }
0x42: {  	_ =	shalt  }
0x43: {  	_ =	shalt  }
0x44: {  	_ =	shalt  }
0x45: {  	_ =	shalt  }
0x46: {  	_ =	shalt  }
0x47: {  	_ =	shalt  }
0x48: {  	_ =	shalt  }
0x49: {  	_ =	shalt  }
0x4a: {  	_ =	shalt  }
0x4b: {  	_ =	shalt  }
0x4c: {  	_ =	shalt  }
0x4d: {  	_ =	shalt  }
0x4e: {  	_ =	shalt  }
0x4f: {  	_ =	shalt  }
0x50: {  	_ =	shalt  }
0x51: {  	_ =	shalt  }
0x52: {  	_ =	shalt  }
0x53: {  	_ =	shalt  }
0x54: {  	_ =	shalt  }
0x55: {  	_ =	shalt  }
0x56: {  	_ =	shalt  }
0x57: {  	_ =	shalt  }
0x58: {  	_ =	shalt  }
0x59: {  	_ =	shalt  }
0x5a: {  	_ =	shalt  }
0x5b: {  	_ =	shalt  }
0x5c: {  	_ =	shalt  }
0x5d: {  	_ =	shalt  }
0x5e: {  	_ =	shalt  }
0x5f: {  	_ =	shalt  }
0x60: {  	_ =	shalt  }
0x61: {  	_ =	shalt  }
0x62: {  	_ =	shalt  }
0x63: {  	_ =	shalt  }
0x64: {  	_ =	shalt  }
0x65: {  	_ =	shalt  }
0x66: {  	_ =	shalt  }
0x67: {  	_ =	shalt  }
0x68: {  	_ =	shalt  }
0x69: {  	_ =	shalt  }
0x6a: {  	_ =	shalt  }
0x6b: {  	_ =	shalt  }
0x6c: {  	_ =	shalt  }
0x6d: {  	_ =	shalt  }
0x6e: {  	_ =	shalt  }
0x6f: {  	_ =	shalt  }
0x70: {  	_ =	shalt  }
0x71: {  	_ =	shalt  }
0x72: {  	_ =	shalt  }
0x73: {  	_ =	shalt  }
0x74: {  	_ =	shalt  }
0x75: {  	_ =	shalt  }
0x76: {  	_ =	shalt  }
0x77: {  	_ =	shalt  }
0x78: {  	_ =	shalt  }
0x79: {  	_ =	shalt  }
0x7a: {  	_ =	shalt  }
0x7b: {  	_ =	shalt  }
0x7c: {  	_ =	shalt  }
0x7d: {  	_ =	shalt  }
0x7e: {  	_ =	shalt  }
0x7f: {  	_ =	shalt  }
0x80: {  	_ =	shalt  }
0x81: {  	_ =	shalt  }
0x82: {  	_ =	shalt  }
0x83: {  	_ =	shalt  }
0x84: {  	_ =	shalt  }
0x85: {  	_ =	shalt  }
0x86: {  	_ =	shalt  }
0x87: {  	_ =	shalt  }
.Lfunc_end0:
.L_simem_size_0:
called_computation.2_lowered:
.L_overlay_start_0:
0x88: {  	s2 =	sld [smem:$0x3FD9]  }
0x89: {  	s3 =	sld [smem:$0x3FFE];
	_ =	sdelay $0x1  }
0x8a: {  	s1 =	srdreg.scid  }
0x8b: {  	s0 =	sand.u32 $0x1, s1  }
0x8c: {  	s17 =	sshll.u32 s0, $0xA;
	s2 =	sadd.s32 s3, s2  }
0x8d: {  	s2 =	sadd.s32 s2, s17  }
0x8e: {  	[smem:$0x3FC7] =	sst s2  }
0x8f: {  	_ = 	snop  }
0x90: {  	s2 =	sld [smem:$0x3FD0];
	(tm) =	ssettm $0x1  }
0x91: {  	s18 =	sld [smem:$0x3FFB];
	_ =	sdelay $0x3  }
0x92: {  	_ =	strace s18  }
0x93: {  	s3 =	sld [smem:$0x3FFC];
	_ =	sdelay $0x3  }
0x94: {  	_ =	strace s3  }
0x95: {  	s3 =	sld [smem:$0x3FFD];
	_ =	sdelay $0x3  }
0x96: {  	_ =	strace s3  }
0x97: {  	_ =	strace $0x8FFFFFFF  }
0x98: {  	s19 =	sld [smem:$0x3FDB];
	_ =	sdelay $0x1  }
0x99: {  	s4 =	simm.s32 $_scs_section_size  }
0x9a: {  	s5 =	simm.s32 $_size__tile_overlayer_lowered;
	s6 =	simm.s32 $_tile_overlayer_lowered  }
0x9b: {  	s22 =	simm.s32 $0x1BFF;
	s21 =	sshll.u32 s6, $0x1;
	s3 =	sadd.s32 s4, s19  }
0x9c: {  	s7 =	simm.s32 $0x0;
	s20 =	sshll.u32 s5, $0x1;
	s5 =	sadd.s32 s21, s3  }
0x9d: {  	[timem:s7], [sflag:s22] =	dma.local [hbm:s5], s20  }
0x9e: {  	_ =	swait.ge [sflag:s22], s20  }
0x9f: {  	s4 =	ssub.s32 $0x0, s20;
	[sflag:s22] =	ssyncset.done $0x0  }
0xa0: {  	[sflag:s22] =	ssyncadd.s32 s4;
	_ =	sdelay $0x1  }
0xa1: {  	s23 =	simm.s32 $0x1B8B  }
0xa2: {  	_ =	swait.ge [sflag:s23], $0x1  }
0xa3: {  	[sflag:s23] =	ssyncset.done $0x0  }
0xa4: {  	s25 =	simm.s32 $0x1B8E;
	s24 =	sld [smem:$0x3FFE];
	[sflag:s23] =	ssyncadd.s32 $0xFFFFFFFF  }
0xa5: {  	s26 =	simm.s32 $execute0_lowered;
	[smem:$0x3FD2] =	sst s25  }
0xa6: {  	s5 =	sshll.u32 s26, $0x1;
	_ =	strace $0x80000049;
	[dreg:$0x1] =	wrdreg $0xFFFFFFFF  }
0xa7: {  	s28 =	simm.s32 $_size_execute0_lowered;
	s3 =	sadd.s32 s3, s5;
	[dreg:$0x0] =	wrdreg $0x0  }
0xa8: {  	s5 =	sshll.u32 s28, $0x1;
	[dreg:$0x2] =	wrdreg s3  }
0xa9: {  	[dreg:$0x3] =	wrdreg s5  }
0xaa: {  	[dreg:$0x4] =	wrdreg $0xC0  }
0xab: {  	_ =	task [dreg:s7], $0x5FFFF  }
0xac: {  	[dreg:$0x1] =	wrdreg $0xFFFFFFFF  }
0xad: {  	[dreg:$0x0] =	wrdreg $0x60  }
0xae: {  	[dreg:$0x2] =	wrdreg s24  }
0xaf: {  	[dreg:$0x3] =	wrdreg s2  }
0xb0: {  	[dreg:$0x4] =	wrdreg $0x9  }
0xb1: {  	_ =	task.clear_ibuf [dreg:s7], $0x5FFFF;
	_ =	strace $0x90000049  }
0xb2: {  	s29 =	simm.s32 $0x9;
	_ =	strace $0x8000004B  }
0xb3: {  	_ =	swait.ge [sflag:s29], $0x1  }
0xb4: {  	[sflag:s29] =	ssyncadd.s32 $0xFFFFFFFF  }
0xb5: {  	_ =	strace $0x9000004B  }
0xb6: {  	_ =	sfence  }
0xb7: {  	s30 =	sld [smem:$0x0];
	_ =	sdelay $0x2  }
0xb8: {  	s31 =	sshll.u32 s1, $0xD;
	s1 =	sshrl.u32 s1, $0x2  }
0xb9: {  	s3 =	sand.u32 $0x4000, s31;
	s1 =	sadd.s32 s1, s30  }
0xba: {  	s0 =	sor.u32 s3, s0;
	s1 =	sshll.u32 s1, $0x11  }
0xbb: {  	s0 =	sor.u32 s1, s0  }
0xbc: {  	s0 =	sadd.s32 $0x8F2B, s0  }
0xbd: {  	[sflag:s0] =	ssyncadd.remote.s32 $0x1  }
0xbe: {  	_ =	sfence.sel $0xFFFF  }
0xbf: {  	[dreg:$0x0] =	wrdreg $0xFFFFFFFF;
	(pc) =	sbr.abs _section_cstart, $3  }
0xc0: {  	[dreg:$0x1] =	wrdreg $0xFFFFFFFF  }
0xc1: {  	_ =	task.clear_ibuf [dreg:s7], $0x2FFFF;
	_ =	strace $0x9FFFFFFF  }
0xc2: {  	(tm) =	ssettm $0x7FFFFFFF  }
0xc3: {  	_ =	shalt  }
tec
execute0_lowered:
.L_overlay_start_1:
0x0: {  	(tag) =	ssettag $0x1  }
0x1: {  	s3 =	rddreg [dreg:$0x0]  }
0x2: {  	s4 =	rddreg [dreg:$0x1]  }
0x3: {  	s0 =	rddreg [dreg:$0x2];
	s5 =	srdreg.scid  }
0x4: {  	s2 =	simm.s32 $0x0;
	s1 =	stileid.u32;
	s10 =	simm.s32 $0x0  }
0x5: {  	s5 =	sand.u32 $0x1, s5;
	[smem:$0x7FF] =	sst s2;
	s6 =	sshll.u32 s1, $0xD  }
0x6: {  	s28 =	sadd.s32 $0xC00, s3;
	s31 =	sshll.u32 s1, $0x15;
	s7 =	sshll.u32 s5, $0xC  }
0x7: {  	_ =	strace $0x8000004A;
	s8 =	ssub.s32 $0x2, s5;
	s4 =	sadd.s32 s31, s4  }
0x8: {  	s5 =	sshll.u32 s5, $0x14;
	s6 =	sor.u32 s7, s6;
	s29 =	sshrl.u32 s8, $0x1  }
0x9: {  	s4 =	sadd.s32 s5, s4;
	s9 =	sshrl.u32 s6, $0x3;
	s8 =	ssub.s32 s8, s29  }
0xa: {  	s6 =	ssub.s32 $0x2F000, s6;
	s7 =	sadd.s32 $0x2000, s4;
	s30 =	sxor.u32 $0x3E00, s9  }
0xb: {  	s6 =	sshrl.u32 s6, $0x3;
	s9 =	simm.s32 $0x1;
	s3 =	sadd.s32 s28, s30  }
0xc: {  	s5 =	sadd.s32 s28, s6;
	s6 =	smax.u32 s8, $0x1;
	s8 =	simm.s32 $0x2  }
.LBB2_1:
0xd: {  	[tilespmem:s2], [sflag:$0x2] =	stream.linear.gather [hbm4b:s3+s2], $0x11000, $0x38;
	[tilespmem:$0x11000] =	vst v63  }
0xe: {  	_ =	swait.ge [sflag:s8], $0x11000  }
0xf: {  	[sflag:s8] =	ssyncset.done $0x0  }
0x10: {  	s11 =	simm.s32 $0x3F00;
	s12 =	smov.u32 s4;
	[sflag:s8] =	ssyncadd.s32 $0xFFFEF000  }
.LBB2_2:
0x11: {  	p0 =	sne.s32 s11, $0x0  }
.Ltmp0:
0x12: {  	_ = 	snop;
	(pc) =	sbr.rel @p0 .LBB2_2-.Ltmp0, $4  }
0x13: {  	_ = 	snop  }
0x14: {  	s13 =	sshra.s32 s11, $0x2  }
0x15: {  	[hbm4b:s12+s2] =	stream.linear.scatter [tilespmem:s13], [sflag:$0x1], $0x10000, $0x38;
	[tilespmem:$0x11000] =	vst v63  }
0x16: {  	s11 =	sadd.s32 $0xFFFFFF00, s11;
	s12 =	sadd.s32 $0x4000, s12  }
0x17: {  	_ =	swait.ge [sflag:s9], $0x10000  }
0x18: {  	s11 =	simm.s32 $0x3F;
	[sflag:s9] =	ssyncset.done $0x0  }
.LBB2_4:
0x19: {  	p0 =	sne.s32 s11, $0x1;
	s11 =	sadd.s32 $0xFFFFFFFF, s11;
	[sflag:s9] =	ssyncadd.s32 $0xFFFF0000  }
.Ltmp1:
0x1a: {  	(pc) =	sbr.rel @p0 .LBB2_4-.Ltmp1, $3  }
0x1b: {  	_ =	sdelay $0x1  }
0x1c: {  	_ =	swait.ge [sflag:s9], $0x10000  }
0x1d: {  	[sflag:s9] =	ssyncset.done $0x0  }
0x1e: {  	[sflag:s9] =	ssyncadd.s32 $0xFFFF0000  }
0x1f: {  	[tilespmem:s2], [sflag:$0x2] =	stream.linear.gather [hbm4b:s5+s2], $0x11000, $0x38;
	[tilespmem:$0x11000] =	vst v63  }
0x20: {  	_ =	swait.ge [sflag:s8], $0x11000  }
0x21: {  	[sflag:s8] =	ssyncset.done $0x0  }
0x22: {  	s11 =	simm.s32 $0x3F00;
	s12 =	smov.u32 s7;
	[sflag:s8] =	ssyncadd.s32 $0xFFFEF000  }
.LBB2_6:
0x23: {  	p0 =	sne.s32 s11, $0x0  }
.Ltmp2:
0x24: {  	_ = 	snop;
	(pc) =	sbr.rel @p0 .LBB2_6-.Ltmp2, $4  }
0x25: {  	_ = 	snop  }
0x26: {  	s13 =	sshra.s32 s11, $0x2  }
0x27: {  	[hbm4b:s12+s2] =	stream.linear.scatter [tilespmem:s13], [sflag:$0x1], $0x10000, $0x38;
	[tilespmem:$0x11000] =	vst v63  }
0x28: {  	s11 =	sadd.s32 $0xFFFFFF00, s11;
	s12 =	sadd.s32 $0x4000, s12  }
0x29: {  	_ =	swait.ge [sflag:s9], $0x10000  }
0x2a: {  	s11 =	simm.s32 $0x3F;
	[sflag:s9] =	ssyncset.done $0x0  }
.LBB2_8:
0x2b: {  	p0 =	sne.s32 s11, $0x1;
	s11 =	sadd.s32 $0xFFFFFFFF, s11;
	[sflag:s9] =	ssyncadd.s32 $0xFFFF0000  }
.Ltmp3:
0x2c: {  	(pc) =	sbr.rel @p0 .LBB2_8-.Ltmp3, $3  }
0x2d: {  	_ =	sdelay $0x1  }
0x2e: {  	_ =	swait.ge [sflag:s9], $0x10000  }
0x2f: {  	[sflag:s9] =	ssyncset.done $0x0  }
0x30: {  	s10 =	sadd.s32 $0x1, s10  }
0x31: {  	p0 =	sne.s32 s10, s6  }
.Ltmp4:
0x32: {  	_ = 	snop;
	(pc) =	sbr.rel @p0 .LBB2_1-.Ltmp4, $2  }
0x33: {  	_ =	sdelay $0x2  }
0x34: {  	[sflag:s9] =	ssyncadd.s32 $0xFFFF0000  }
0x35: {  	_ =	sfence.sel $0x180000  }
0x36: {  	[bflag:$0x0] =	sbarrier.arrive $0xFFFF  }
0x37: {  	p0 =	sne.s32 s1, $0x0;
	_ =	strace $0x9000004A  }
0x38: {  	s0 =	sadd.s32 @!p0 $0x100000, s0;
	[bflag:$0x2] =	sbarrier.arrive $0xFFFF  }
0x39: {  	[sflag:s0] =	ssyncadd.tile.s32 @!p0 $0x1;
	_ =	shalt  }
.Lfunc_end2:
_tile_overlayer_lowered:
.L_overlay_start_2:
0x3a: {  	(tag) =	ssettag $0x2  }
0x3b: {  	s0 =	rddreg [dreg:$0x0];
	s2 =	stileid.u32  }
0x3c: {  	s1 =	rddreg [dreg:$0x1];
	p0 =	sne.s32 s2, $0x0  }
0x3d: {  	s3 =	rddreg [dreg:$0x2];
	[bflag:$0x3] =	sbarrier.arrive $0xFFFF;
	s2 =	simm.s32 @!p0 $0x1C02  }
0x3e: {  	[timem:s3], [sflag:s2] =	dma.local @!p0 [hbm:s0], s1  }
0x3f: {  	s0 =	simm.s32 @!p0 $0x2  }
0x40: {  	_ =	swait.ge @!p0 [sflag:s0], s1  }
0x41: {  	s1 =	ssub.s32 @!p0 $0x0, s1;
	[sflag:s0] =	ssyncset.done @!p0 $0x0  }
0x42: {  	[sflag:s0] =	ssyncadd.s32 @!p0 s1  }
0x43: {  	[bflag:$0x3] =	sbarrier.arrive $0xFFFF  }
0x44: {  	_ =	shalt  }

// kernel: sparse-core-data-format-call.cloned.1.call-start
scs
called_computation_lowered:
.L_overlay_start_0:
0x0: {  	s2 =	sld [smem:$0x3FD9]  }
0x1: {  	s3 =	sld [smem:$0x3FFE];
	_ =	sdelay $0x1  }
0x2: {  	s1 =	srdreg.scid  }
0x3: {  	s0 =	sand.u32 $0x1, s1  }
0x4: {  	s18 =	sshll.u32 s0, $0xA;
	s2 =	sadd.s32 s3, s2  }
0x5: {  	s2 =	sadd.s32 s2, s18  }
0x6: {  	[smem:$0x3FC7] =	sst s2  }
0x7: {  	_ = 	snop  }
0x8: {  	s2 =	sld [smem:$0x3FD0];
	(tm) =	ssettm $0x1  }
0x9: {  	s19 =	sld [smem:$0x3FFB];
	_ =	sdelay $0x3  }
0xa: {  	_ =	strace s19  }
0xb: {  	s3 =	sld [smem:$0x3FFC];
	_ =	sdelay $0x3  }
0xc: {  	_ =	strace s3  }
0xd: {  	s3 =	sld [smem:$0x3FFD];
	_ =	sdelay $0x3  }
0xe: {  	_ =	strace s3  }
0xf: {  	_ =	strace $0x8FFFFFFF  }
0x10: {  	s20 =	sld [smem:$0x3FDB];
	_ =	sdelay $0x1  }
0x11: {  	s4 =	simm.s32 $_scs_section_size  }
0x12: {  	s5 =	simm.s32 $_size__tile_overlayer_lowered;
	s6 =	simm.s32 $_tile_overlayer_lowered  }
0x13: {  	s23 =	simm.s32 $0x1BFF;
	s22 =	sshll.u32 s6, $0x1;
	s3 =	sadd.s32 s4, s20  }
0x14: {  	s7 =	simm.s32 $0x0;
	s21 =	sshll.u32 s5, $0x1;
	s5 =	sadd.s32 s22, s3  }
0x15: {  	[timem:s7], [sflag:s23] =	dma.local [hbm:s5], s21  }
0x16: {  	_ =	swait.ge [sflag:s23], s21  }
0x17: {  	s4 =	ssub.s32 $0x0, s21;
	[sflag:s23] =	ssyncset.done $0x0  }
0x18: {  	[sflag:s23] =	ssyncadd.s32 s4;
	_ =	sdelay $0x1  }
0x19: {  	s24 =	simm.s32 $0x1B8B  }
0x1a: {  	_ =	swait.ge [sflag:s24], $0x1  }
0x1b: {  	[sflag:s24] =	ssyncset.done $0x0  }
0x1c: {  	s26 =	simm.s32 $0x1B8E;
	s25 =	sld [smem:$0x3FFE];
	[sflag:s24] =	ssyncadd.s32 $0xFFFFFFFF  }
0x1d: {  	s27 =	simm.s32 $execute0_lowered;
	[smem:$0x3FD2] =	sst s26  }
0x1e: {  	s5 =	sshll.u32 s27, $0x1;
	_ =	strace $0x8000004C;
	[dreg:$0x1] =	wrdreg $0xFFFFFFFF  }
0x1f: {  	s28 =	simm.s32 $_size_execute0_lowered;
	s3 =	sadd.s32 s3, s5;
	[dreg:$0x0] =	wrdreg $0x0  }
0x20: {  	s5 =	sshll.u32 s28, $0x1;
	[dreg:$0x2] =	wrdreg s3  }
0x21: {  	[dreg:$0x3] =	wrdreg s5  }
0x22: {  	[dreg:$0x4] =	wrdreg $0xC0  }
0x23: {  	_ =	task [dreg:s7], $0x5FFFF  }
0x24: {  	[dreg:$0x1] =	wrdreg $0xFFFFFFFF  }
0x25: {  	[dreg:$0x0] =	wrdreg $0x60  }
0x26: {  	[dreg:$0x2] =	wrdreg s25  }
0x27: {  	[dreg:$0x3] =	wrdreg s2  }
0x28: {  	[dreg:$0x4] =	wrdreg $0x9  }
0x29: {  	_ =	task.clear_ibuf [dreg:s7], $0x5FFFF;
	_ =	strace $0x9000004C  }
0x2a: {  	s29 =	simm.s32 $0x9;
	_ =	strace $0x8000004E  }
0x2b: {  	_ =	swait.ge [sflag:s29], $0x1  }
0x2c: {  	[sflag:s29] =	ssyncadd.s32 $0xFFFFFFFF  }
0x2d: {  	_ =	strace $0x9000004E  }
0x2e: {  	_ =	sfence  }
0x2f: {  	s30 =	sld [smem:$0x0];
	_ =	sdelay $0x2  }
0x30: {  	s31 =	sshll.u32 s1, $0xD;
	s1 =	sshrl.u32 s1, $0x2  }
0x31: {  	s3 =	sand.u32 $0x4000, s31;
	s1 =	sadd.s32 s1, s30  }
0x32: {  	s0 =	sor.u32 s3, s0;
	s1 =	sshll.u32 s1, $0x11  }
0x33: {  	s0 =	sor.u32 s1, s0  }
0x34: {  	s0 =	sadd.s32 $0x8F2B, s0  }
0x35: {  	[sflag:s0] =	ssyncadd.remote.s32 $0x1  }
0x36: {  	_ =	sfence.sel $0xFFFF  }
0x37: {  	[dreg:$0x0] =	wrdreg $0xFFFFFFFF;
	(pc) =	sbr.abs _section_cstart, $3  }
0x38: {  	[dreg:$0x1] =	wrdreg $0xFFFFFFFF  }
0x39: {  	_ =	task.clear_ibuf [dreg:s7], $0x2FFFF;
	_ =	strace $0x9FFFFFFF  }
0x3a: {  	(tm) =	ssettm $0x7FFFFFFF  }
0x3b: {  	_ =	shalt  }
tec
execute0_lowered:
.L_overlay_start_1:
0x0: {  	(tag) =	ssettag $0x1  }
0x1: {  	s0 =	srdreg.scid  }
0x2: {  	s7 =	rddreg [dreg:$0x0];
	s1 =	sshll.u32 s0, $0x4  }
0x3: {  	s3 =	rddreg [dreg:$0x1];
	s0 =	stileid.u32;
	s1 =	sand.u32 $0x10, s1  }
0x4: {  	s6 =	simm.s32 $0x1;
	s31 =	simm.s32 $0x2;
	s1 =	sor.u32 s0, s1  }
0x5: {  	s13 =	simm.s32 $0x0;
	s9 =	simm.s32 $0x4000;
	s2 =	sshll.u32 s1, $0x1  }
0x6: {  	s14 =	simm.s32 $0x0;
	s10 =	simm.s32 $0x0;
	s4 =	ssub.s32 $0x800, s2  }
0x7: {  	s12 =	simm.s32 $0x0;
	s1 =	rddreg [dreg:$0x2];
	s5 =	sand.u32 $0x3E, s4  }
.Ltmp0:
0x8: {  	_ =	strace $0x8000004D;
	p0 =	sne.s32 s5, $0x0;
	(pc) =	sbr.rel .LBB1_1-.Ltmp0, $4  }
0x9: {  	s11 =	smov.u32 s2;
	s8 =	sshrl.u32 s4, $0x6;
	s6 =	simm.s32 @!p0 $0x0  }
0xa: {  	s4 =	sadd.s32 $0xC00, s7;
	s5 =	simm.s32 $0x1;
	s6 =	sadd.s32 s6, s8  }
0xb: {  	s7 =	sadd.s32 $0x8C00, s7;
	[sflag:s5] =	ssyncpa.u1 $0x0;
	s6 =	sshll.u32 s6, $0x4  }
0xc: {  	p0 =	por $0x0, $0x0;
	[sflag:s31] =	ssyncpa.u1 $0x0;
	s8 =	sor.u32 $0x1, s6  }
.LBB1_7:
0xd: {  	s15 =	sadd.s32 $0x80, s10  }
0xe: {  	s13 =	sadd.s32 $0x40, s11;
	s17 =	smov.u32 s11;
	p2 =	sgt.s32 s15, $0x7FF  }
0xf: {  	s17 =	smov.u32 @p2 s13  }
0x10: {  	s15 =	simm.s32 @p2 $0x0;
	p2 =	sgt.s32 s17, $0x7FF  }
0x11: {  	s17 =	smov.u32 @p2 s2;
	p2 =	sne.s32 s12, s8  }
.Ltmp1:
0x12: {  	p1 =	slt.u32 s12, $0x2;
	(pc) =	sbr.rel @!p2 .LBB1_8-.Ltmp1, $4  }
0x13: {  	s16 =	simm.s32 @!p1 $0x2  }
0x14: {  	s14 =	smov.u32 s11;
	p0 =	por !p0, !p0;
	_ =	swait.ge @!p1 [sflag:s16], $0x4000  }
0x15: {  	s13 =	smov.u32 s10;
	[sflag:s16] =	ssyncset.done @!p1 $0x0;
	s10 =	smov.u32 s15  }
0x16: {  	s12 =	sadd.s32 $0x1, s12;
	[sflag:s16] =	ssyncadd.s32 @!p1 $0xFFFFC000;
	s11 =	smov.u32 s17  }
.LBB1_1:
0x17: {  	p1 =	sge.u32 s12, s6  }
0x18: {  	s15 =	sxor.u32 @!p1 $0xFFFFFFFF, s12;
	s16 =	sshll.u32 @!p1 s11, $0xF  }
0x19: {  	s17 =	sshll.u32 @!p1 s10, $0x4;
	s19 =	simm.s32 @!p1 $0x40;
	s20 =	simm.s32 @!p1 $0x80  }
0x1a: {  	s15 =	sshll.u32 @!p1 s15, $0xE;
	s17 =	sand.u32 @!p1 $0x7FF0, s17;
	s18 =	sadd.s32 @!p1 s4, s16  }
0x1b: {  	s16 =	sadd.s32 @!p1 s16, s7;
	s15 =	sand.u32 @!p1 $0x4000, s15;
	s18 =	sadd.s32 @!p1 s17, s18  }
0x1c: {  	[tilespmem:s15], [sflag:$0x1] =	stream.strided.gather @!p1 [hbm4b:s18+s19], $0x2000, s20, s19, $0x38;
	[tilespmem:$0x10100] =	vst v63  }
0x1d: {  	s31 =	sadd.s32 $0xFFFFFFFF, s12;
	s16 =	sadd.s32 @!p1 s17, s16;
	s15 =	sor.u32 @!p1 $0x2000, s15  }
0x1e: {  	[tilespmem:s15], [sflag:$0x1] =	stream.strided.gather @!p1 [hbm4b:s16+s19], $0x2000, s20, s19, $0x38;
	[tilespmem:$0x10100] =	vst v63  }
0x1f: {  	p1 =	sge.u32 s31, s6  }
.Ltmp2:
0x20: {  	_ = 	snop;
	(pc) =	sbr.rel @p1 .LBB1_7-.Ltmp2, $1  }
0x21: {  	_ =	sdelay $0x3  }
0x22: {  	s15 =	simm.s32 $0x1;
	s17 =	sand.u32 $0x1, s12  }
0x23: {  	_ =	swait.ge [sflag:s5], $0x4000;
	s15 =	simm.s32 @!p0 $0x0;
	s17 =	smul.u32 $0x10200, s17  }
0x24: {  	p2 =	por $0x1, $0x1;
	[sflag:s5] =	ssyncset.done $0x0;
	s16 =	smul.u32 $0x10200, s15  }
0x25: {  	s18 =	sshll.u32 s15, $0x10;
	[sflag:s5] =	ssyncadd.s32 $0xFFFFC000;
	s30 =	sshrl.u32 s17, $0x2  }
0x26: {  	s31 =	sshrl.u32 s18, $0x2;
	s18 =	simm.s32 $0x0;
	s16 =	sshrl.u32 s16, $0x2  }
0x27: {  	s15 =	sor.u32 $0x8000, s30;
	s17 =	sadd.s32 $0x20, s31;
	s16 =	sor.u32 $0x8000, s16  }
.LBB1_3:
0x28: {  	s19 =	sshll.u32 s18, $0xD  }
0x29: {  	s19 =	sand.u32 $0x3FFFE000, s19  }
0x2a: {  	s21 =	sadd.s32 s19, s17  }
0x2b: {  	s31 =	smul.u32 $0x8100, s18;
	v3 =	vld [tilespmem:s21+$0x10]  }
0x2c: {  	v1 =	vld [tilespmem:s21+$0xFFFFFFF0]  }
0x2d: {  	s18 =	sshra.s32 s31, $0x2;
	v0 =	vld [tilespmem:s21+$0x0]  }
0x2e: {  	s18 =	sadd.s32 s18, s16;
	v2 =	vld [tilespmem:s21+$0xFFFFFFE0]  }
0x2f: {  	s19 =	sadd.s32 $0x0, s18  }
0x30: {  	p1 =	por p2, p2;
	s20 =	simm.s32 $0x4;
	s21 =	sadd.s32 $0x40, s21;
	[tilespmem:s19+$0x1830 ss:$0x81] =	vst.msk $0xffff, v3  }
.LBB1_4:
0x31: {  	v3 =	vld [tilespmem:s21+$0x10];
	p2 =	sne.s32 s20, $0x1FC;
	[tilespmem:s19+$0x810 ss:$0x81] =	vst.msk $0xffff, v1;
	s22 =	smov.u32 s20;
	s20 =	sadd.s32 $0x4, s20  }
.Ltmp3:
0x32: {  	v1 =	vld [tilespmem:s21+$0xFFFFFFF0];
	[tilespmem:s19+$0x1020 ss:$0x81] =	vst.msk $0xffff, v0;
	(pc) =	sbr.rel @p2 .LBB1_4-.Ltmp3, $4  }
0x33: {  	v0 =	vld [tilespmem:s21+$0x0];
	[tilespmem:s19+$0x0 ss:$0x81] =	vst.msk $0xffff, v2  }
0x34: {  	s19 =	sshra.s32 s22, $0x2;
	v2 =	vld [tilespmem:s21+$0xFFFFFFE0]  }
0x35: {  	s19 =	sadd.s32 s19, s18  }
0x36: {  	s21 =	sadd.s32 $0x40, s21;
	[tilespmem:s19+$0x1830 ss:$0x81] =	vst.msk $0xffff, v3  }
.Ltmp4:
0x37: {  	(pc) =	sbr.rel @p1 .LBB1_3-.Ltmp4, $4  }
0x38: {  	_ = 	snop  }
0x39: {  	[tilespmem:s19+$0x810 ss:$0x81] =	vst.msk $0xffff, v1  }
0x3a: {  	[tilespmem:s19+$0x1020 ss:$0x81] =	vst.msk $0xffff, v0  }
0x3b: {  	s18 =	simm.s32 $0x1;
	p2 =	por $0x0, $0x0;
	[tilespmem:s19+$0x0 ss:$0x81] =	vst.msk $0xffff, v2  }
0x3c: {  	s16 =	sshll.u32 s13, $0x3;
	s17 =	sand.u32 $0x78, s13;
	s14 =	sshll.u32 s14, $0xE  }
.Ltmp5:
0x3d: {  	s30 =	sand.u32 $0x3F00, s13;
	s16 =	sand.u32 $0x400, s16;
	(pc) =	sbr.rel .LBB1_7-.Ltmp5, $4  }
0x3e: {  	s31 =	sand.u32 $0x7, s13;
	s14 =	sadd.s32 s3, s14;
	s16 =	sor.u32 s17, s16  }
0x3f: {  	s13 =	sshll.u32 s31, $0x12;
	s14 =	sadd.s32 s30, s14;
	s16 =	sshrl.u32 s16, $0x3  }
0x40: {  	s13 =	sor.u32 $0x400, s13;
	s14 =	sadd.s32 s16, s14  }
0x41: {  	[hbm4b:s14+s13] =	stream.strided.scatter [tilespmem:s15], [sflag:$0x2], $0x4000, s9, s13, $0x20;
	[tilespmem:$0x10100] =	vst v63  }
.LBB1_8:
0x42: {  	_ =	sfence.sel $0x180000  }
0x43: {  	s2 =	simm.s32 $0x1;
	[bflag:$0x0] =	sbarrier.arrive $0xFFFF  }
0x44: {  	s31 =	simm.s32 $0x2;
	[sflag:s2] =	ssyncpa.u1 $0x1  }
0x45: {  	[sflag:s31] =	ssyncpa.u1 $0x1  }
0x46: {  	p0 =	sne.s32 s0, $0x0;
	_ =	strace $0x9000004D  }
0x47: {  	s0 =	sadd.s32 @!p0 $0x100000, s1;
	[bflag:$0x2] =	sbarrier.arrive $0xFFFF  }
0x48: {  	[sflag:s0] =	ssyncadd.tile.s32 @!p0 $0x1;
	_ =	shalt  }
.Lfunc_end1:
_tile_overlayer_lowered:
.L_overlay_start_2:
0x49: {  	(tag) =	ssettag $0x2  }
0x4a: {  	s0 =	rddreg [dreg:$0x0];
	s2 =	stileid.u32  }
0x4b: {  	s1 =	rddreg [dreg:$0x1];
	p0 =	sne.s32 s2, $0x0  }
0x4c: {  	s3 =	rddreg [dreg:$0x2];
	[bflag:$0x3] =	sbarrier.arrive $0xFFFF;
	s2 =	simm.s32 @!p0 $0x1C01  }
0x4d: {  	[timem:s3], [sflag:s2] =	dma.local @!p0 [hbm:s0], s1  }
0x4e: {  	s0 =	simm.s32 @!p0 $0x1  }
0x4f: {  	_ =	swait.ge @!p0 [sflag:s0], s1  }
0x50: {  	s1 =	ssub.s32 @!p0 $0x0, s1;
	[sflag:s0] =	ssyncset.done @!p0 $0x0  }
0x51: {  	[sflag:s0] =	ssyncadd.s32 @!p0 s1  }
0x52: {  	[bflag:$0x3] =	sbarrier.arrive $0xFFFF  }
0x53: {  	_ =	shalt  }

</sc_bundles>
